<compile_context>
chip_gen: v7x
topology: tpu7x:2x2x1
jax: 0.10.2.dev20260603
libtpu: 0.0.44.dev20260713+nightly
codegen_flags: <defaults>
</compile_context>

<pallas_src>
import jax
import jax.numpy as jnp
from jax.experimental import pallas as pl

_FEAT_DIM = 512
_CATE_NUM = 1000
_SHOTS_TOTAL = 32
_FEAT_NUM = 256
_ROWS = _CATE_NUM * _SHOTS_TOTAL

_BLK_CLS = 40
_NSTEP = _CATE_NUM // _BLK_CLS


def _tc_small_body(idx_ref, res_full_ref, cw_ref, ncw_ref, rexp_ref):
    col = jax.lax.broadcasted_iota(jnp.int32, (_FEAT_NUM, _FEAT_DIM), 1)
    s = (idx_ref[...] == col).astype(jnp.float32)
    rexp_ref[...] = jnp.dot(res_full_ref[...], s,
                            preferred_element_type=jnp.float32)
    ncw_ref[...] = cw_ref[...] + jax.lax.dot_general(
        s, res_full_ref[...], (((0,), (1,)), ((), ())),
        preferred_element_type=jnp.float32)


def _tc_ck_body(ck_ref, rexp_ref, nck_ref):
    rep = jnp.broadcast_to(rexp_ref[...][:, None, :],
                           (_BLK_CLS, _SHOTS_TOTAL, _FEAT_DIM))
    nck_ref[...] = ck_ref[...] + rep.reshape(_BLK_CLS * _SHOTS_TOTAL, _FEAT_DIM)


def _tc_cv_body(cv_ref, vw_ref, ncv_ref):
    ncv_ref[...] = cv_ref[...] * vw_ref[...]


def kernel(cache_keys, clip_weights, cache_values, res, value_weights, indices):
    idx = indices.astype(jnp.int32).reshape(_FEAT_NUM, 1)
    ncw, rexp = pl.pallas_call(
        _tc_small_body,
        in_specs=[
            pl.BlockSpec((_FEAT_NUM, 1), lambda: (0, 0)),
            pl.BlockSpec((_CATE_NUM, _FEAT_NUM), lambda: (0, 0)),
            pl.BlockSpec((_FEAT_DIM, _CATE_NUM), lambda: (0, 0)),
        ],
        out_specs=[
            pl.BlockSpec((_FEAT_DIM, _CATE_NUM), lambda: (0, 0)),
            pl.BlockSpec((_CATE_NUM, _FEAT_DIM), lambda: (0, 0)),
        ],
        out_shape=[
            jax.ShapeDtypeStruct((_FEAT_DIM, _CATE_NUM), jnp.float32),
            jax.ShapeDtypeStruct((_CATE_NUM, _FEAT_DIM), jnp.float32),
        ],
    )(idx, res, clip_weights)

    nck = pl.pallas_call(
        _tc_ck_body,
        grid=(_NSTEP,),
        in_specs=[
            pl.BlockSpec((_BLK_CLS * _SHOTS_TOTAL, _FEAT_DIM), lambda i: (i, 0)),
            pl.BlockSpec((_BLK_CLS, _FEAT_DIM), lambda i: (i, 0)),
        ],
        out_specs=pl.BlockSpec((_BLK_CLS * _SHOTS_TOTAL, _FEAT_DIM),
                               lambda i: (i, 0)),
        out_shape=jax.ShapeDtypeStruct((_ROWS, _FEAT_DIM), jnp.float32),
    )(cache_keys, rexp)

    halves = []
    hc = _CATE_NUM // 2
    hstep = _NSTEP // 2
    for h in range(2):
        cv3 = jax.lax.slice_in_dim(cache_values, h * (_ROWS // 2), (h + 1) * (_ROWS // 2),
                                   axis=0).reshape(hc, _SHOTS_TOTAL, _CATE_NUM)
        vw3 = jax.lax.slice_in_dim(value_weights, h * (_ROWS // 2), (h + 1) * (_ROWS // 2),
                                   axis=0).reshape(hc, _SHOTS_TOTAL, 1)
        ncv3 = pl.pallas_call(
            _tc_cv_body,
            grid=(hc // 50,),
            in_specs=[
                pl.BlockSpec((50, _SHOTS_TOTAL, _CATE_NUM), lambda i: (i, 0, 0)),
                pl.BlockSpec((50, _SHOTS_TOTAL, 1), lambda i: (i, 0, 0)),
            ],
            out_specs=pl.BlockSpec((50, _SHOTS_TOTAL, _CATE_NUM),
                                   lambda i: (i, 0, 0)),
            out_shape=jax.ShapeDtypeStruct((hc, _SHOTS_TOTAL, _CATE_NUM),
                                           jnp.float32),
        )(cv3, vw3)
        halves.append(ncv3.reshape(_ROWS // 2, _CATE_NUM))
    ncv = jnp.concatenate(halves, axis=0)
    return (nck, ncw, ncv)

# --- scband reference (transcript-rebuilt; emitter-appended) ---
"""Pipeline reference for scband-gda-training-69166153335014 (READ-ONLY COPY).

The authoritative reference and input builder live on the scoring server;
editing this copy changes nothing except your own understanding.
"""

import jax, jax.numpy as jnp
import numpy as np

FEAT_DIM = 512
CATE_NUM = 1000
SHOTS = 16
AUG_EPOCH = 2
SHOTS_TOTAL = SHOTS * AUG_EPOCH
FEAT_NUM = 256


def setup_inputs(seed: int = 0) -> dict:
    key = jax.random.key(seed)
    k0, k1, k2, k3 = jax.random.split(key, 4)
    cache_keys = jax.random.normal(k0, (CATE_NUM * SHOTS_TOTAL, FEAT_DIM), dtype=jnp.float32)
    clip_weights = jax.random.normal(k1, (FEAT_DIM, CATE_NUM), dtype=jnp.float32)
    # cache_values: one-hot labels (shots_total consecutive samples per class)
    labels = jnp.repeat(jnp.arange(CATE_NUM), SHOTS_TOTAL)
    cache_values = jax.nn.one_hot(labels, CATE_NUM, dtype=jnp.float32)
    # learned parameters
    res = 0.01 * jax.random.normal(k2, (CATE_NUM, FEAT_NUM), dtype=jnp.float32)
    value_weights = jnp.ones((CATE_NUM * SHOTS_TOTAL, 1), dtype=jnp.float32)
    # indices from topk criterion: unique feature indices in [0, FEAT_DIM)
    indices = jax.random.permutation(k3, FEAT_DIM)[:FEAT_NUM].astype(jnp.int64)
    return {
        'cache_keys': cache_keys,
        'clip_weights': clip_weights,
        'cache_values': cache_values,
        'res': res,
        'value_weights': value_weights,
        'indices': indices,
    }


def reference(cache_keys, clip_weights, cache_values, res, value_weights, indices):
    # res_keys = res.unsqueeze(1).repeat(1, shots, 1).reshape(-1, feat_num)
    res_keys = jnp.broadcast_to(res[:, None, :], (CATE_NUM, SHOTS_TOTAL, FEAT_NUM)).reshape(-1, FEAT_NUM)
    new_cache_keys = cache_keys.reshape(-1, FEAT_DIM)
    # new_cache_keys[:, indices] = new_cache_keys[:, indices] + res_keys  (indices unique -> scatter-add)
    new_cache_keys = new_cache_keys.at[:, indices].add(res_keys)
    # new_clip_weights[indices, :] = clip_weights[indices, :] + res.T
    new_clip_weights = clip_weights.at[indices, :].add(res.T)
    new_cache_values = cache_values * value_weights
    return (new_cache_keys, new_clip_weights, new_cache_values)

if __name__ == "__main__":
    import jax
    _d = setup_inputs()
    print(jax.jit(kernel)(*tuple(_d.values())))

</pallas_src>

<mosaic_0001>
module attributes {stable_mosaic.version = 14 : i64} {
  func.func @_tc_cv_body(%arg0: i32, %arg1: memref<50x32x1000xf32, #tpu.memory_space<vmem>>, %arg2: memref<50x32x1xf32, #tpu.memory_space<vmem>>, %arg3: memref<50x32x1000xf32, #tpu.memory_space<vmem>>) attributes {dimension_semantics = [#tpu.dimension_semantics<arbitrary>], iteration_bounds = array<i64: 10>, scalar_prefetch = 0 : i64, scratch_operands = 0 : i64, tpu.core_type = #tpu.core_type<tc>, window_params = [{transform_indices = @transform_0, window_bounds = array<i64: 50, 32, 1000>}, {transform_indices = @transform_1, window_bounds = array<i64: 50, 32, 1>}, {transform_indices = @transform_2, window_bounds = array<i64: 50, 32, 1000>}]} {
    %get3A = arith.constant 0 : index
    %get3A_0 = arith.constant 0 : index
    %get3A_1 = arith.constant 0 : index
    %get3A_2 = vector.load %arg1[%get3A, %get3A_0, %get3A_1] : memref<50x32x1000xf32, #tpu.memory_space<vmem>>, vector<50x32x1000xf32>
    %get3A_3 = arith.constant 0 : index
    %get3A_4 = arith.constant 0 : index
    %get3A_5 = arith.constant 0 : index
    %get3A_6 = vector.load %arg2[%get3A_3, %get3A_4, %get3A_5] : memref<50x32x1xf32, #tpu.memory_space<vmem>>, vector<50x32x1xf32>
    %mul3A = vector.broadcast %get3A_6 : vector<50x32x1xf32> to vector<50x32x1000xf32>
    %mul3A_7 = arith.mulf %get3A_2, %mul3A : vector<50x32x1000xf32>
    %swap3A = arith.constant 0 : index
    %swap3A_8 = arith.constant 0 : index
    %swap3A_9 = arith.constant 0 : index
    %swap3A_10 = vector.load %arg3[%swap3A, %swap3A_8, %swap3A_9] : memref<50x32x1000xf32, #tpu.memory_space<vmem>>, vector<50x32x1000xf32>
    tpu.vector_store %arg3[%swap3A, %swap3A_8, %swap3A_9], %mul3A_7 {strides = array<i32>} : memref<50x32x1000xf32, #tpu.memory_space<vmem>>, vector<50x32x1000xf32>,
    return
  }
  func.func @transform_0(%arg0: i32) -> (i32, i32, i32) {
    %c0_i32 = arith.constant 0 : i32
    %c0_i32_0 = arith.constant 0 : i32
    %c0_i32_1 = arith.constant 0 : i32
    return %arg0, %c0_i32, %c0_i32_0 : i32, i32, i32
  }
  func.func @transform_1(%arg0: i32) -> (i32, i32, i32) {
    %c0_i32 = arith.constant 0 : i32
    %c0_i32_0 = arith.constant 0 : i32
    %c0_i32_1 = arith.constant 0 : i32
    return %arg0, %c0_i32, %c0_i32_0 : i32, i32, i32
  }
  func.func @transform_2(%arg0: i32) -> (i32, i32, i32) {
    %c0_i32 = arith.constant 0 : i32
    %c0_i32_0 = arith.constant 0 : i32
    %c0_i32_1 = arith.constant 0 : i32
    return %arg0, %c0_i32, %c0_i32_0 : i32, i32, i32
  }
}

module attributes {stable_mosaic.version = 14 : i64} {
  func.func @_tc_small_body(%arg0: memref<256x1xi32, #tpu.memory_space<vmem>>, %arg1: memref<1000x256xf32, #tpu.memory_space<vmem>>, %arg2: memref<512x1000xf32, #tpu.memory_space<vmem>>, %arg3: memref<512x1000xf32, #tpu.memory_space<vmem>>, %arg4: memref<1000x512xf32, #tpu.memory_space<vmem>>) attributes {dimension_semantics = [], scalar_prefetch = 0 : i64, scratch_operands = 0 : i64, tpu.core_type = #tpu.core_type<tc>} {
    %iota3A = tpu.iota {dimensions = array<i32: 1>} : vector<256x512xi32>
    %get3A = arith.constant 0 : index
    %get3A_0 = arith.constant 0 : index
    %get3A_1 = vector.load %arg0[%get3A, %get3A_0] : memref<256x1xi32, #tpu.memory_space<vmem>>, vector<256x1xi32>
    %eq3A = vector.broadcast %get3A_1 : vector<256x1xi32> to vector<256x512xi32>
    %eq3A_2 = arith.cmpi eq, %eq3A, %iota3A : vector<256x512xi32>
    %convert_element_type3A = arith.extui %eq3A_2 : vector<256x512xi1> to vector<256x512xi32>
    %convert_element_type3A_3 = arith.sitofp %convert_element_type3A : vector<256x512xi32> to vector<256x512xf32>
    %get3A_4 = arith.constant 0 : index
    %get3A_5 = arith.constant 0 : index
    %get3A_6 = vector.load %arg1[%get3A_4, %get3A_5] : memref<1000x256xf32, #tpu.memory_space<vmem>>, vector<1000x256xf32>
    %dot_general3A = arith.constant dense<0.000000e+00> : vector<1000x512xf32>
    %dot_general3A_7 = tpu.matmul %get3A_6, %convert_element_type3A_3, %dot_general3A {dimension_numbers = #tpu.dot_dimension_numbers<[1], [0], [0], [1], [0, 0, 1, 1], [], []>, transpose_lhs_hint = false} : vector<1000x256xf32>, vector<256x512xf32>, vector<1000x512xf32> -> vector<1000x512xf32>
    %swap3A = arith.constant 0 : index
    %swap3A_8 = arith.constant 0 : index
    %swap3A_9 = vector.load %arg4[%swap3A, %swap3A_8] : memref<1000x512xf32, #tpu.memory_space<vmem>>, vector<1000x512xf32>
    tpu.vector_store %arg4[%swap3A, %swap3A_8], %dot_general3A_7 {strides = array<i32>} : memref<1000x512xf32, #tpu.memory_space<vmem>>, vector<1000x512xf32>,
    %get3A_10 = arith.constant 0 : index
    %get3A_11 = arith.constant 0 : index
    %get3A_12 = vector.load %arg2[%get3A_10, %get3A_11] : memref<512x1000xf32, #tpu.memory_space<vmem>>, vector<512x1000xf32>
    %get3A_13 = arith.constant 0 : index
    %get3A_14 = arith.constant 0 : index
    %get3A_15 = vector.load %arg1[%get3A_13, %get3A_14] : memref<1000x256xf32, #tpu.memory_space<vmem>>, vector<1000x256xf32>
    %dot_general3A_16 = arith.constant dense<0.000000e+00> : vector<512x1000xf32>
    %dot_general3A_17 = tpu.matmul %convert_element_type3A_3, %get3A_15, %dot_general3A_16 {dimension_numbers = #tpu.dot_dimension_numbers<[0], [1], [1], [0], [0, 1, 1, 0], [], []>, transpose_lhs_hint = false} : vector<256x512xf32>, vector<1000x256xf32>, vector<512x1000xf32> -> vector<512x1000xf32>
    %add3A = arith.addf %get3A_12, %dot_general3A_17 : vector<512x1000xf32>
    %swap3A_18 = arith.constant 0 : index
    %swap3A_19 = arith.constant 0 : index
    %swap3A_20 = vector.load %arg3[%swap3A_18, %swap3A_19] : memref<512x1000xf32, #tpu.memory_space<vmem>>, vector<512x1000xf32>
    tpu.vector_store %arg3[%swap3A_18, %swap3A_19], %add3A {strides = array<i32>} : memref<512x1000xf32, #tpu.memory_space<vmem>>, vector<512x1000xf32>,
    return
  }
}

module attributes {stable_mosaic.version = 14 : i64} {
  func.func @_tc_ck_body(%arg0: i32, %arg1: memref<1280x512xf32, #tpu.memory_space<vmem>>, %arg2: memref<40x512xf32, #tpu.memory_space<vmem>>, %arg3: memref<1280x512xf32, #tpu.memory_space<vmem>>) attributes {dimension_semantics = [#tpu.dimension_semantics<arbitrary>], iteration_bounds = array<i64: 25>, scalar_prefetch = 0 : i64, scratch_operands = 0 : i64, tpu.core_type = #tpu.core_type<tc>, window_params = [{transform_indices = @transform_0, window_bounds = array<i64: 1280, 512>}, {transform_indices = @transform_1, window_bounds = array<i64: 40, 512>}, {transform_indices = @transform_2, window_bounds = array<i64: 1280, 512>}]} {
    %get3A = arith.constant 0 : index
    %get3A_0 = arith.constant 0 : index
    %get3A_1 = vector.load %arg2[%get3A, %get3A_0] : memref<40x512xf32, #tpu.memory_space<vmem>>, vector<40x512xf32>
    %broadcast_in_dim3A = vector.shape_cast %get3A_1 : vector<40x512xf32> to vector<40x1x512xf32>
    %broadcast_in_dim3A_2 = vector.shape_cast %broadcast_in_dim3A : vector<40x1x512xf32> to vector<40x1x512xf32>
    %broadcast_in_dim3A_3 = vector.broadcast %broadcast_in_dim3A_2 : vector<40x1x512xf32> to vector<40x32x512xf32>
    %get3A_4 = arith.constant 0 : index
    %get3A_5 = arith.constant 0 : index
    %get3A_6 = vector.load %arg1[%get3A_4, %get3A_5] : memref<1280x512xf32, #tpu.memory_space<vmem>>, vector<1280x512xf32>
    %reshape3A = vector.shape_cast %broadcast_in_dim3A_3 : vector<40x32x512xf32> to vector<1280x512xf32>
    %add3A = arith.addf %get3A_6, %reshape3A : vector<1280x512xf32>
    %swap3A = arith.constant 0 : index
    %swap3A_7 = arith.constant 0 : index
    %swap3A_8 = vector.load %arg3[%swap3A, %swap3A_7] : memref<1280x512xf32, #tpu.memory_space<vmem>>, vector<1280x512xf32>
    tpu.vector_store %arg3[%swap3A, %swap3A_7], %add3A {strides = array<i32>} : memref<1280x512xf32, #tpu.memory_space<vmem>>, vector<1280x512xf32>,
    return
  }
  func.func @transform_0(%arg0: i32) -> (i32, i32) {
    %c0_i32 = arith.constant 0 : i32
    %c0_i32_0 = arith.constant 0 : i32
    return %arg0, %c0_i32 : i32, i32
  }
  func.func @transform_1(%arg0: i32) -> (i32, i32) {
    %c0_i32 = arith.constant 0 : i32
    %c0_i32_0 = arith.constant 0 : i32
    return %arg0, %c0_i32 : i32, i32
  }
  func.func @transform_2(%arg0: i32) -> (i32, i32) {
    %c0_i32 = arith.constant 0 : i32
    %c0_i32_0 = arith.constant 0 : i32
    return %arg0, %c0_i32 : i32, i32
  }
}

</mosaic_0001>

<sc_bundles>
// kernel: sparse-core-data-format-call.1.cloned.1.call-start
scs
called_computation.1_lowered:
.L_overlay_start_0:
0x0: {  	s2 =	sld [smem:$0x3FD9]  }
0x1: {  	s3 =	sld [smem:$0x3FFE];
	_ =	sdelay $0x1  }
0x2: {  	s1 =	srdreg.scid  }
0x3: {  	s0 =	sand.u32 $0x1, s1  }
0x4: {  	s15 =	sshll.u32 s0, $0xA;
	s2 =	sadd.s32 s3, s2  }
0x5: {  	s2 =	sadd.s32 s2, s15  }
0x6: {  	[smem:$0x3FC2] =	sst s2  }
0x7: {  	_ = 	snop  }
0x8: {  	s2 =	sld [smem:$0x3FD0];
	_ =	sdelay $0x2  }
0x9: {  	s16 =	simm.s32 $0xB;
	s4 =	simm.s32 $0x10  }
0xa: {  	[smem:s4], [sflag:s16] =	dma.local [hbm:s2], $0x1  }
0xb: {  	_ =	swait.eq [sflag:s16], $0x1  }
0xc: {  	[sflag:s16] =	ssyncset.done $0x0  }
0xd: {  	[sflag:s16] =	ssyncadd.s32 $0xFFFFFFFF  }
0xe: {  	s17 =	sld [smem:$0x12];
	(tm) =	ssettm $0x1  }
0xf: {  	s18 =	sld [smem:$0x3FFB];
	_ =	sdelay $0x3  }
0x10: {  	_ =	strace s18  }
0x11: {  	s3 =	sld [smem:$0x3FFC];
	_ =	sdelay $0x3  }
0x12: {  	_ =	strace s3  }
0x13: {  	s3 =	sld [smem:$0x3FFD];
	_ =	sdelay $0x3  }
0x14: {  	_ =	strace s3  }
0x15: {  	_ =	strace $0x8FFFFFFF  }
0x16: {  	s19 =	sld [smem:$0x3FDB];
	_ =	sdelay $0x1  }
0x17: {  	s20 =	simm.s32 $_scs_section_size  }
0x18: {  	s5 =	simm.s32 $_size__tile_overlayer_lowered;
	s6 =	simm.s32 $_tile_overlayer_lowered  }
0x19: {  	s23 =	simm.s32 $0x1BFF;
	s22 =	sshll.u32 s6, $0x1;
	s3 =	sadd.s32 s20, s19  }
0x1a: {  	s7 =	simm.s32 $0x0;
	s21 =	sshll.u32 s5, $0x1;
	s5 =	sadd.s32 s22, s3  }
0x1b: {  	[timem:s7], [sflag:s23] =	dma.local [hbm:s5], s21  }
0x1c: {  	_ =	swait.ge [sflag:s23], s21  }
0x1d: {  	s4 =	ssub.s32 $0x0, s21;
	[sflag:s23] =	ssyncset.done $0x0  }
0x1e: {  	[sflag:s23] =	ssyncadd.s32 s4;
	_ =	sdelay $0x1  }
0x1f: {  	s24 =	simm.s32 $0x1B8B  }
0x20: {  	_ =	swait.ge [sflag:s24], $0x1  }
0x21: {  	[sflag:s24] =	ssyncset.done $0x0  }
0x22: {  	s26 =	simm.s32 $0x1B8E;
	s25 =	sld [smem:$0x3FFE];
	[sflag:s24] =	ssyncadd.s32 $0xFFFFFFFF  }
0x23: {  	s27 =	simm.s32 $execute0_lowered;
	[smem:$0x3FD2] =	sst s26  }
0x24: {  	s5 =	sshll.u32 s27, $0x1;
	_ =	strace $0x80000046;
	[dreg:$0x1] =	wrdreg $0xFFFFFFFF  }
0x25: {  	s28 =	simm.s32 $_size_execute0_lowered;
	s3 =	sadd.s32 s3, s5;
	[dreg:$0x0] =	wrdreg $0x0  }
0x26: {  	s5 =	sshll.u32 s28, $0x1;
	[dreg:$0x2] =	wrdreg s3  }
0x27: {  	[dreg:$0x3] =	wrdreg s5  }
0x28: {  	[dreg:$0x4] =	wrdreg $0xC0  }
0x29: {  	_ =	task [dreg:s7], $0x5FFFF  }
0x2a: {  	[dreg:$0x1] =	wrdreg $0xFFFFFFFF  }
0x2b: {  	[dreg:$0x0] =	wrdreg $0x60  }
0x2c: {  	[dreg:$0x2] =	wrdreg s17  }
0x2d: {  	[dreg:$0x3] =	wrdreg s25  }
0x2e: {  	[dreg:$0x4] =	wrdreg $0xA  }
0x2f: {  	_ =	task.clear_ibuf [dreg:s7], $0x5FFFF;
	_ =	strace $0x90000046  }
0x30: {  	s29 =	simm.s32 $0xA;
	_ =	strace $0x80000048  }
0x31: {  	_ =	swait.ge [sflag:s29], $0x1  }
0x32: {  	[sflag:s29] =	ssyncadd.s32 $0xFFFFFFFF  }
0x33: {  	_ =	strace $0x90000048  }
0x34: {  	_ =	sfence  }
0x35: {  	s30 =	sld [smem:$0x0];
	_ =	sdelay $0x2  }
0x36: {  	s31 =	sshll.u32 s1, $0xD;
	s1 =	sshrl.u32 s1, $0x2  }
0x37: {  	s3 =	sand.u32 $0x4000, s31;
	s1 =	sadd.s32 s1, s30  }
0x38: {  	s0 =	sor.u32 s3, s0;
	s1 =	sshll.u32 s1, $0x11  }
0x39: {  	s0 =	sor.u32 s1, s0  }
0x3a: {  	s0 =	sadd.s32 $0x8F2B, s0  }
0x3b: {  	[sflag:s0] =	ssyncadd.remote.s32 $0x1  }
0x3c: {  	_ =	sfence.sel $0xFFFF  }
0x3d: {  	[dreg:$0x0] =	wrdreg $0xFFFFFFFF;
	(pc) =	sbr.abs _section_cstart, $3  }
0x3e: {  	[dreg:$0x1] =	wrdreg $0xFFFFFFFF  }
0x3f: {  	_ =	task.clear_ibuf [dreg:s7], $0x2FFFF;
	_ =	strace $0x9FFFFFFF  }
0x40: {  	(tm) =	ssettm $0x7FFFFFFF  }
0x41: {  	_ =	shalt  }
tec
execute0_lowered:
.L_overlay_start_1:
0x0: {  	(tag) =	ssettag $0x1  }
0x1: {  	s2 =	rddreg [dreg:$0x0]  }
0x2: {  	s4 =	rddreg [dreg:$0x1];
	s1 =	stileid.u32  }
0x3: {  	s3 =	srdreg.scid;
	s0 =	rddreg [dreg:$0x2];
	_ =	strace $0x80000047  }
0x4: {  	s10 =	simm.s32 $0x2;
	s14 =	simm.s32 $0x0;
	s16 =	simm.s32 $0x0  }
0x5: {  	s12 =	simm.s32 $0x0;
	s15 =	simm.s32 $0x0;
	s3 =	sshll.u32 s3, $0x4  }
0x6: {  	s5 =	sshll.u32 s1, $0x7;
	s4 =	sadd.s32 $0x1E9400, s4;
	s6 =	sand.u32 $0x10, s3  }
0x7: {  	s3 =	sand.u32 $0x180, s5;
	s5 =	simm.s32 $0x1;
	s8 =	sor.u32 s1, s6  }
0x8: {  	s31 =	ssub.s32 $0x3E80, s3;
	[sflag:s5] =	ssyncpa.u1 $0x0;
	s13 =	smov.u32 s3  }
.Ltmp0:
0x9: {  	s7 =	sshll.u32 s8, $0x5;
	s9 =	sand.u32 $0x180, s31;
	(pc) =	sbr.rel .LBB1_1-.Ltmp0, $4  }
0xa: {  	s11 =	sshrl.u32 s31, $0x9;
	p0 =	sne.s32 s9, $0x0;
	s9 =	simm.s32 $0x1  }
0xb: {  	[sflag:s10] =	ssyncpa.u1 $0x0;
	s8 =	sshll.u32 s8, $0x8;
	s9 =	simm.s32 @!p0 $0x0  }
0xc: {  	s10 =	simm.s32 $0x1F400;
	s6 =	sand.u32 $0x380, s7;
	s7 =	sadd.s32 s9, s11  }
0xd: {  	p0 =	por $0x0, $0x0;
	s11 =	simm.s32 $0x0;
	s9 =	sadd.s32 $0x1, s7  }
.LBB1_4:
0xe: {  	s22 =	sshrl.u32 s11, $0x3  }
0xf: {  	s23 =	sshll.u32 s12, $0x3;
	s24 =	sand.u32 $0x7F, s12;
	s22 =	smul.u32 $0x1F400, s22  }
0x10: {  	v5 =	vld [tilespmem:s18+$0xFFFFFFD0];
	s21 =	sshra.s32 s21, $0x2;
	s25 =	sshra.s32 s12, $0x1F;
	s23 =	sand.u32 $0xFFFFFC00, s23  }
0x11: {  	[tilespmem:s20+$0x2040 ss:$0x81] =	vst.msk $0xffff, v4;
	v58 =	vld [tilespmem:s18+$0xFFFFFFE0];
	p1 =	sgt.s32 s12, $0x3E00;
	s25 =	sand.u32 s25, s12;
	s22 =	sadd.s32 s23, s22  }
0x12: {  	[tilespmem:s20+$0x2850 ss:$0x81] =	vst.msk $0xffff, v3;
	v59 =	vld [tilespmem:s18+$0xFFFFFFF0];
	s23 =	sor.u32 s24, s22;
	s22 =	smulhi.u32 $0x10624DD3, s22;
	s24 =	smov.u32 s12  }
0x13: {  	[tilespmem:s20+$0x3060 ss:$0x81] =	vst.msk $0xffff, v2;
	v60 =	vld [tilespmem:s18+$0x0];
	s19 =	sadd.s32 s21, s19;
	s26 =	smulhi.u32 $0x10624DD3, s23;
	s24 =	simm.s32 @!p1 $0x3E00  }
0x14: {  	[tilespmem:s20+$0x0 ss:$0x81] =	vst.msk $0xffff, v0;
	v61 =	vld [tilespmem:s18+$0x10];
	p1 =	sgt.s32 s11, $0x368;
	s28 =	sshrl.u32 s22, $0xA;
	s29 =	ssub.s32 s24, s25  }
0x15: {  	[tilespmem:s19+$0x3870 ss:$0x81] =	vst.msk $0xffff, v1;
	s30 =	sshrl.u32 s26, $0xA;
	s31 =	smulhi.u32 $0x418938, s28;
	s25 =	sadd.s32 $0xFFFFC200, s29  }
0x16: {  	v62 =	vld [tilespmem:s18+$0x20];
	[tilespmem:s19+$0x810 ss:$0x81] =	vst.msk $0xffff, v5;
	s22 =	smul.u32 $0x3E80, s30;
	p2 =	sgt.s32 s25, $0x7F;
	s25 =	smov.u32 s11  }
0x17: {  	v63 =	vld [tilespmem:s18+$0xFFFFFFC0];
	[tilespmem:s19+$0x1020 ss:$0x81] =	vst.msk $0xffff, v58;
	s21 =	ssub.s32 $0x3E80, s29;
	s25 =	simm.s32 @!p1 $0x368;
	s26 =	smul.u32 $0x3E8, s31  }
0x18: {  	[tilespmem:s19+$0x1830 ss:$0x81] =	vst.msk $0xffff, v59;
	s21 =	simm.s32 @p2 $0x0;
	s27 =	ssub.s32 $0x3E8, s25  }
0x19: {  	[tilespmem:s19+$0x2040 ss:$0x81] =	vst.msk $0xffff, v60;
	s22 =	ssub.s32 s23, s22;
	s18 =	ssub.s32 s28, s26;
	s28 =	smul.u32 s27, s21  }
0x1a: {  	[tilespmem:s19+$0x2850 ss:$0x81] =	vst.msk $0xffff, v61;
	s29 =	sshrl.u32 s22, $0x3;
	s22 =	sand.u32 $0x7, s22;
	s18 =	smul.u32 $0x7D0, s18  }
0x1b: {  	[tilespmem:s19+$0x3060 ss:$0x81] =	vst.msk $0xffff, v62;
	s21 =	sadd.s32 s4, s29;
	s22 =	sshll.u32 s22, $0x12  }
0x1c: {  	[tilespmem:s19+$0x0 ss:$0x81] =	vst.msk $0xffff, v63;
	s30 =	sand.u32 $0x3FFFFFF8, s28;
	s31 =	sor.u32 $0x400, s22;
	s18 =	sadd.s32 s18, s21  }
0x1d: {  	[hbm4b:s18+s31] =	stream.strided.scatter [tilespmem:s17], [sflag:$0x2], s30, s10, s31, $0x20;
	[tilespmem:$0x10100] =	vst v63  }
.LBB1_5:
0x1e: {  	p1 =	slt.u32 s15, $0x2  }
0x1f: {  	p2 =	sgt.s32 @!p1 s16, $0x3E00  }
0x20: {  	s17 =	smov.u32 s16;
	s18 =	sshra.s32 @!p1 s16, $0x1F;
	p2 =	por !p2, p1  }
0x21: {  	s16 =	sand.u32 @!p1 s18, s16;
	s17 =	simm.s32 @p2 $0x3E00  }
0x22: {  	s16 =	ssub.s32 @!p1 s17, s16  }
0x23: {  	p2 =	sgt.s32 @!p1 s14, $0x368;
	s17 =	sadd.s32 @!p1 $0xFFFFC200, s16  }
0x24: {  	s18 =	sadd.s32 $0x200, s13;
	p2 =	por !p2, p1;
	p3 =	sgt.s32 @!p1 s17, $0x7F  }
0x25: {  	s14 =	simm.s32 @p2 $0x368;
	s16 =	ssub.s32 @!p1 $0x3E80, s16;
	p2 =	por !p3, p1  }
0x26: {  	s14 =	ssub.s32 @!p1 $0x3E8, s14;
	s16 =	simm.s32 @!p2 $0x0;
	p2 =	sgt.s32 s18, $0x3E7F  }
0x27: {  	s14 =	smul.u32 @!p1 s14, s16;
	s18 =	smov.u32 @p2 s3;
	p2 =	sne.s32 s15, s9  }
.Ltmp1:
0x28: {  	s20 =	sadd.s32 $0x1, s15;
	p0 =	por !p0, !p0;
	(pc) =	sbr.rel @!p2 .LBB1_6-.Ltmp1, $4  }
0x29: {  	s17 =	simm.s32 @!p1 $0x2;
	s16 =	smov.u32 s12;
	s14 =	sand.u32 @!p1 $0x3FFFFFFF, s14  }
0x2a: {  	s12 =	smov.u32 s13;
	s15 =	smov.u32 s20;
	_ =	swait.ge @!p1 [sflag:s17], s14  }
0x2b: {  	s13 =	smov.u32 s18;
	s19 =	ssub.s32 @!p1 $0x0, s14;
	[sflag:s17] =	ssyncset.done @!p1 $0x0  }
0x2c: {  	s14 =	smov.u32 s11;
	s11 =	smov.u32 s6;
	[sflag:s17] =	ssyncadd.s32 @!p1 s19  }
.LBB1_1:
0x2d: {  	p1 =	sge.u32 s15, s7  }
0x2e: {  	s17 =	sshll.u32 @!p1 s13, $0xA  }
0x2f: {  	s17 =	sand.u32 @!p1 $0xFFFFE000, s17  }
0x30: {  	s17 =	sor.u32 @!p1 s8, s17  }
0x31: {  	s17 =	sshrl.u32 @!p1 s17, $0xA  }
0x32: {  	s18 =	smulhi.u32 @!p1 $0x83127, s17;
	_ =	sdelay $0x1  }
0x33: {  	s18 =	sshrl.u32 @!p1 s18, $0x1  }
0x34: {  	s18 =	smul.u32 @!p1 $0x3E80, s18  }
0x35: {  	s31 =	sadd.s32 $0xFFFFFFFF, s15;
	s19 =	sxor.u32 @!p1 $0xFFFFFFFF, s15;
	s20 =	sshll.u32 @!p1 s13, $0x4  }
0x36: {  	s19 =	sshll.u32 @!p1 s19, $0xE;
	s17 =	ssub.s32 @!p1 s17, s18;
	s18 =	sand.u32 @!p1 $0x70, s20  }
0x37: {  	s19 =	sand.u32 @!p1 $0x4000, s19;
	s17 =	sshll.u32 @!p1 s17, $0x7;
	s18 =	sadd.s32 @!p1 s2, s18  }
0x38: {  	s20 =	simm.s32 @!p1 $0x2000;
	s17 =	sadd.s32 @!p1 s17, s18;
	s18 =	simm.s32 @!p1 $0x400  }
0x39: {  	[tilespmem:s19], [sflag:$0x1] =	stream.strided.gather @!p1 [hbm4b:s17+s18], $0x4000, s20, s18, $0x38;
	[tilespmem:$0x10100] =	vst v63  }
0x3a: {  	p1 =	sge.u32 s31, s7  }
.Ltmp2:
0x3b: {  	_ = 	snop;
	(pc) =	sbr.rel @p1 .LBB1_5-.Ltmp2, $1  }
0x3c: {  	_ =	sdelay $0x3  }
0x3d: {  	s17 =	simm.s32 $0x1  }
0x3e: {  	_ =	swait.ge [sflag:s5], $0x4000;
	s17 =	simm.s32 @!p0 $0x0  }
0x3f: {  	[sflag:s5] =	ssyncset.done $0x0;
	s18 =	sshll.u32 s17, $0xE  }
0x40: {  	[sflag:s5] =	ssyncadd.s32 $0xFFFFC000;
	s18 =	sor.u32 $0x40, s18  }
0x41: {  	s17 =	smul.u32 $0x10200, s17;
	v0 =	vld [tilespmem:s18+$0x30]  }
0x42: {  	v1 =	vld [tilespmem:s18+$0xFFFFFFD0]  }
0x43: {  	s17 =	sshrl.u32 s17, $0x2;
	v5 =	vld [tilespmem:s18+$0xFFFFFFE0]  }
0x44: {  	v6 =	vld [tilespmem:s18+$0xFFFFFFF0];
	s19 =	sor.u32 $0x8000, s17  }
0x45: {  	s31 =	sand.u32 $0x1, s15;
	v4 =	vld [tilespmem:s18+$0x0];
	s20 =	sadd.s32 $0x0, s19  }
0x46: {  	v3 =	vld [tilespmem:s18+$0x10];
	s17 =	smul.u32 $0x10200, s31;
	[tilespmem:s20+$0x3870 ss:$0x81] =	vst.msk $0xffff, v0  }
0x47: {  	v2 =	vld [tilespmem:s18+$0x20];
	[tilespmem:s20+$0x810 ss:$0x81] =	vst.msk $0xffff, v1  }
0x48: {  	s17 =	sshrl.u32 s17, $0x2;
	v0 =	vld [tilespmem:s18+$0xFFFFFFC0];
	[tilespmem:s20+$0x1020 ss:$0x81] =	vst.msk $0xffff, v5;
	s18 =	sadd.s32 $0x80, s18  }
0x49: {  	s21 =	simm.s32 $0x4;
	s22 =	simm.s32 $0x8;
	s17 =	sor.u32 $0x8000, s17;
	[tilespmem:s20+$0x1830 ss:$0x81] =	vst.msk $0xffff, v6;
	v1 =	vld [tilespmem:s18+$0x30]  }
.LBB1_3:
0x4a: {  	p1 =	sne.s32 s22, $0x1FC;
	v5 =	vld [tilespmem:s18+$0xFFFFFFD0];
	[tilespmem:s20+$0x2040 ss:$0x81] =	vst.msk $0xffff, v4  }
0x4b: {  	v6 =	vld [tilespmem:s18+$0xFFFFFFE0];
	[tilespmem:s20+$0x2850 ss:$0x81] =	vst.msk $0xffff, v3  }
0x4c: {  	s23 =	sshra.s32 s21, $0x2;
	s21 =	smov.u32 s22;
	v7 =	vld [tilespmem:s18+$0xFFFFFFF0];
	[tilespmem:s20+$0x3060 ss:$0x81] =	vst.msk $0xffff, v2  }
.Ltmp3:
0x4d: {  	v4 =	vld [tilespmem:s18+$0x0];
	[tilespmem:s20+$0x0 ss:$0x81] =	vst.msk $0xffff, v0;
	s20 =	sadd.s32 s23, s19;
	(pc) =	sbr.rel @p1 .LBB1_3-.Ltmp3, $4  }
0x4e: {  	v3 =	vld [tilespmem:s18+$0x10];
	[tilespmem:s20+$0x3870 ss:$0x81] =	vst.msk $0xffff, v1  }
0x4f: {  	[tilespmem:s20+$0x810 ss:$0x81] =	vst.msk $0xffff, v5;
	v2 =	vld [tilespmem:s18+$0x20]  }
0x50: {  	v0 =	vld [tilespmem:s18+$0xFFFFFFC0];
	[tilespmem:s20+$0x1020 ss:$0x81] =	vst.msk $0xffff, v6;
	s18 =	sadd.s32 $0x80, s18  }
0x51: {  	s22 =	sadd.s32 $0x4, s22;
	v1 =	vld [tilespmem:s18+$0x30];
	[tilespmem:s20+$0x1830 ss:$0x81] =	vst.msk $0xffff, v7  }
.Ltmp4:
0x52: {  	_ = 	snop;
	(pc) =	sbr.rel .LBB1_4-.Ltmp4, $1  }
0x53: {  	_ =	sdelay $0x3  }
.LBB1_6:
0x54: {  	_ =	sfence.sel $0x180000  }
0x55: {  	s2 =	simm.s32 $0x1;
	[bflag:$0x0] =	sbarrier.arrive $0xFFFF  }
0x56: {  	s31 =	simm.s32 $0x2;
	[sflag:s2] =	ssyncpa.u1 $0x1  }
0x57: {  	[sflag:s31] =	ssyncpa.u1 $0x1  }
0x58: {  	p0 =	sne.s32 s1, $0x0;
	_ =	strace $0x90000047  }
0x59: {  	s0 =	sadd.s32 @!p0 $0x100000, s0;
	[bflag:$0x2] =	sbarrier.arrive $0xFFFF  }
0x5a: {  	[sflag:s0] =	ssyncadd.tile.s32 @!p0 $0x1;
	_ =	shalt  }
.Lfunc_end1:
_tile_overlayer_lowered:
.L_overlay_start_2:
0x5b: {  	(tag) =	ssettag $0x2  }
0x5c: {  	s0 =	rddreg [dreg:$0x0];
	s2 =	stileid.u32  }
0x5d: {  	s1 =	rddreg [dreg:$0x1];
	p0 =	sne.s32 s2, $0x0  }
0x5e: {  	s3 =	rddreg [dreg:$0x2];
	[bflag:$0x3] =	sbarrier.arrive $0xFFFF;
	s2 =	simm.s32 @!p0 $0x1C01  }
0x5f: {  	[timem:s3], [sflag:s2] =	dma.local @!p0 [hbm:s0], s1  }
0x60: {  	s0 =	simm.s32 @!p0 $0x1  }
0x61: {  	_ =	swait.ge @!p0 [sflag:s0], s1  }
0x62: {  	s1 =	ssub.s32 @!p0 $0x0, s1;
	[sflag:s0] =	ssyncset.done @!p0 $0x0  }
0x63: {  	[sflag:s0] =	ssyncadd.s32 @!p0 s1  }
0x64: {  	[bflag:$0x3] =	sbarrier.arrive $0xFFFF  }
0x65: {  	_ =	shalt  }

// kernel: sparse-core-data-format-call.cloned.1.call-start
scs
called_computation_lowered:
.L_overlay_start_0:
0x0: {  	s2 =	sld [smem:$0x3FD9]  }
0x1: {  	s3 =	sld [smem:$0x3FFE];
	_ =	sdelay $0x1  }
0x2: {  	s1 =	srdreg.scid  }
0x3: {  	s0 =	sand.u32 $0x1, s1  }
0x4: {  	s18 =	sshll.u32 s0, $0xA;
	s2 =	sadd.s32 s3, s2  }
0x5: {  	s2 =	sadd.s32 s2, s18  }
0x6: {  	[smem:$0x3FC2] =	sst s2  }
0x7: {  	_ = 	snop  }
0x8: {  	(tm) =	ssettm $0x1  }
0x9: {  	s19 =	sld [smem:$0x3FFB];
	_ =	sdelay $0x3  }
0xa: {  	_ =	strace s19  }
0xb: {  	s2 =	sld [smem:$0x3FFC];
	_ =	sdelay $0x3  }
0xc: {  	_ =	strace s2  }
0xd: {  	s2 =	sld [smem:$0x3FFD];
	_ =	sdelay $0x3  }
0xe: {  	_ =	strace s2  }
0xf: {  	_ =	strace $0x8FFFFFFF  }
0x10: {  	s20 =	sld [smem:$0x3FDB];
	_ =	sdelay $0x1  }
0x11: {  	s21 =	simm.s32 $_scs_section_size  }
0x12: {  	s4 =	simm.s32 $_size__tile_overlayer_lowered;
	s5 =	simm.s32 $_tile_overlayer_lowered  }
0x13: {  	s6 =	simm.s32 $0x1BFF;
	s22 =	sshll.u32 s5, $0x1;
	s3 =	sadd.s32 s21, s20  }
0x14: {  	s23 =	simm.s32 $0x0;
	s4 =	sshll.u32 s4, $0x1;
	s5 =	sadd.s32 s22, s3  }
0x15: {  	[timem:s23], [sflag:s6] =	dma.local [hbm:s5], s4  }
0x16: {  	_ =	swait.ge [sflag:s6], s4  }
0x17: {  	s4 =	ssub.s32 $0x0, s4;
	[sflag:s6] =	ssyncset.done $0x0  }
0x18: {  	[sflag:s6] =	ssyncadd.s32 s4;
	_ =	sdelay $0x1  }
0x19: {  	s24 =	simm.s32 $0x1B8B  }
0x1a: {  	_ =	swait.ge [sflag:s24], $0x1  }
0x1b: {  	[sflag:s24] =	ssyncset.done $0x0  }
0x1c: {  	[sflag:s24] =	ssyncadd.s32 $0xFFFFFFFF  }
0x1d: {  	s4 =	sld [smem:$0x0]  }
0x1e: {  	s5 =	sand.u32 $0xFFFFFFFE, s1  }
0x1f: {  	p0 =	sne.s32 s1, s5  }
0x20: {  	s5 =	sshll.u32 @p0 s5, $0xE  }
0x21: {  	s5 =	sadd.s32 @p0 $0x11B8D, s5;
	s6 =	sshll.u32 @p0 s4, $0x11  }
0x22: {  	s5 =	sor.u32 @p0 s6, s5  }
0x23: {  	[sflag:s5] =	ssyncadd.remote.s32 @p0 $0x1;
	_ =	sdelay $0x1  }
0x24: {  	s5 =	simm.s32 @p0 $0x1B8D  }
0x25: {  	_ =	swait.eq @p0 [sflag:s5], $0x1  }
0x26: {  	[sflag:s5] =	ssyncadd.s32 @p0 $0xFFFFFFFF  }
0x27: {  	s6 =	sshll.u32 @!p0 s1, $0xE  }
0x28: {  	s6 =	sor.u32 @!p0 $0x4000, s6;
	s5 =	simm.s32 @!p0 $0x1B8D  }
0x29: {  	s4 =	sshll.u32 @!p0 s4, $0x11;
	s6 =	sadd.s32 @!p0 $0x11B8D, s6;
	_ =	swait.eq @!p0 [sflag:s5], $0x1  }
0x2a: {  	s4 =	sor.u32 @!p0 s4, s6;
	[sflag:s5] =	ssyncadd.s32 @!p0 $0xFFFFFFFF  }
0x2b: {  	s26 =	simm.s32 $0x1B8E;
	s25 =	sld [smem:$0x3FFE];
	[sflag:s4] =	ssyncadd.remote.s32 @!p0 $0x1  }
0x2c: {  	s27 =	simm.s32 $execute0_lowered;
	[smem:$0x3FD2] =	sst s26  }
0x2d: {  	s5 =	sshll.u32 s27, $0x1;
	_ =	strace $0x80000049;
	[dreg:$0x1] =	wrdreg $0xFFFFFFFF  }
0x2e: {  	s28 =	simm.s32 $_size_execute0_lowered;
	s3 =	sadd.s32 s3, s5;
	[dreg:$0x0] =	wrdreg $0x0  }
0x2f: {  	s5 =	sshll.u32 s28, $0x1;
	[dreg:$0x2] =	wrdreg s3  }
0x30: {  	[dreg:$0x3] =	wrdreg s5  }
0x31: {  	[dreg:$0x4] =	wrdreg $0xC0  }
0x32: {  	_ =	task [dreg:s23], $0x5FFFF  }
0x33: {  	[dreg:$0x1] =	wrdreg $0xFFFFFFFF  }
0x34: {  	[dreg:$0x0] =	wrdreg $0x60  }
0x35: {  	[dreg:$0x2] =	wrdreg s25  }
0x36: {  	[dreg:$0x3] =	wrdreg $0x9  }
0x37: {  	_ =	task.clear_ibuf [dreg:s23], $0x4FFFF;
	_ =	strace $0x90000049  }
0x38: {  	s29 =	simm.s32 $0x9;
	_ =	strace $0x8000004B  }
0x39: {  	_ =	swait.ge [sflag:s29], $0x1  }
0x3a: {  	[sflag:s29] =	ssyncadd.s32 $0xFFFFFFFF  }
0x3b: {  	_ =	strace $0x9000004B  }
0x3c: {  	_ =	sfence  }
0x3d: {  	s30 =	sld [smem:$0x0];
	_ =	sdelay $0x2  }
0x3e: {  	s31 =	sshll.u32 s1, $0xD;
	s1 =	sshrl.u32 s1, $0x2  }
0x3f: {  	s4 =	sand.u32 $0x4000, s31;
	s1 =	sadd.s32 s1, s30  }
0x40: {  	s0 =	sor.u32 s4, s0;
	s1 =	sshll.u32 s1, $0x11  }
0x41: {  	s0 =	sor.u32 s1, s0  }
0x42: {  	s0 =	sadd.s32 $0x8F2B, s0  }
0x43: {  	[sflag:s0] =	ssyncadd.remote.s32 $0x1  }
0x44: {  	_ =	sfence.sel $0xFFFF  }
0x45: {  	[dreg:$0x0] =	wrdreg $0xFFFFFFFF;
	(pc) =	sbr.abs _section_cstart, $3  }
0x46: {  	[dreg:$0x1] =	wrdreg $0xFFFFFFFF  }
0x47: {  	_ =	task.clear_ibuf [dreg:s23], $0x2FFFF;
	_ =	strace $0x9FFFFFFF  }
0x48: {  	(tm) =	ssettm $0x7FFFFFFF  }
0x49: {  	_ =	shalt  }
tec
execute0_lowered:
.L_overlay_start_1:
0x0: {  	(tag) =	ssettag $0x1  }
0x1: {  	s4 =	rddreg [dreg:$0x0]  }
0x2: {  	s0 =	rddreg [dreg:$0x1];
	s1 =	stileid.u32  }
0x3: {  	s2 =	srdreg.scid;
	_ =	strace $0x8000004A;
	s10 =	simm.s32 $0x2  }
0x4: {  	s14 =	simm.s32 $0x0;
	s16 =	simm.s32 $0x0;
	s12 =	simm.s32 $0x0  }
0x5: {  	s15 =	simm.s32 $0x0;
	s3 =	sshll.u32 s2, $0x4;
	s5 =	sshll.u32 s1, $0x7  }
0x6: {  	s2 =	sadd.s32 $0x3D1A00, s4;
	s4 =	sadd.s32 $0xE00, s4;
	s6 =	sand.u32 $0x10, s3  }
0x7: {  	s3 =	sand.u32 $0x180, s5;
	s5 =	simm.s32 $0x1;
	s8 =	sor.u32 s1, s6  }
0x8: {  	s31 =	ssub.s32 $0x3E80, s3;
	[sflag:s5] =	ssyncpa.u1 $0x0;
	s13 =	smov.u32 s3  }
.Ltmp0:
0x9: {  	s7 =	sshll.u32 s8, $0x5;
	s9 =	sand.u32 $0x180, s31;
	(pc) =	sbr.rel .LBB1_1-.Ltmp0, $4  }
0xa: {  	s11 =	sshrl.u32 s31, $0x9;
	p0 =	sne.s32 s9, $0x0;
	s9 =	simm.s32 $0x1  }
0xb: {  	[sflag:s10] =	ssyncpa.u1 $0x0;
	s8 =	sshll.u32 s8, $0x8;
	s9 =	simm.s32 @!p0 $0x0  }
0xc: {  	s10 =	simm.s32 $0x1F400;
	s6 =	sand.u32 $0x380, s7;
	s7 =	sadd.s32 s9, s11  }
0xd: {  	p0 =	por $0x0, $0x0;
	s11 =	simm.s32 $0x0;
	s9 =	sadd.s32 $0x1, s7  }
.LBB1_4:
0xe: {  	s22 =	sshrl.u32 s11, $0x3  }
0xf: {  	s23 =	sshll.u32 s12, $0x3;
	s24 =	sand.u32 $0x7F, s12;
	s22 =	smul.u32 $0x1F400, s22  }
0x10: {  	v5 =	vld [tilespmem:s18+$0xFFFFFFD0];
	s21 =	sshra.s32 s21, $0x2;
	s25 =	sshra.s32 s12, $0x1F;
	s23 =	sand.u32 $0xFFFFFC00, s23  }
0x11: {  	[tilespmem:s20+$0x2040 ss:$0x81] =	vst.msk $0xffff, v4;
	v58 =	vld [tilespmem:s18+$0xFFFFFFE0];
	p1 =	sgt.s32 s12, $0x3E00;
	s25 =	sand.u32 s25, s12;
	s22 =	sadd.s32 s23, s22  }
0x12: {  	[tilespmem:s20+$0x2850 ss:$0x81] =	vst.msk $0xffff, v3;
	v59 =	vld [tilespmem:s18+$0xFFFFFFF0];
	s23 =	sor.u32 s24, s22;
	s22 =	smulhi.u32 $0x10624DD3, s22;
	s24 =	smov.u32 s12  }
0x13: {  	[tilespmem:s20+$0x3060 ss:$0x81] =	vst.msk $0xffff, v2;
	v60 =	vld [tilespmem:s18+$0x0];
	s19 =	sadd.s32 s21, s19;
	s26 =	smulhi.u32 $0x10624DD3, s23;
	s24 =	simm.s32 @!p1 $0x3E00  }
0x14: {  	[tilespmem:s20+$0x0 ss:$0x81] =	vst.msk $0xffff, v0;
	v61 =	vld [tilespmem:s18+$0x10];
	p1 =	sgt.s32 s11, $0x368;
	s28 =	sshrl.u32 s22, $0xA;
	s29 =	ssub.s32 s24, s25  }
0x15: {  	[tilespmem:s19+$0x3870 ss:$0x81] =	vst.msk $0xffff, v1;
	s30 =	sshrl.u32 s26, $0xA;
	s31 =	smulhi.u32 $0x418938, s28;
	s25 =	sadd.s32 $0xFFFFC200, s29  }
0x16: {  	v62 =	vld [tilespmem:s18+$0x20];
	[tilespmem:s19+$0x810 ss:$0x81] =	vst.msk $0xffff, v5;
	s22 =	smul.u32 $0x3E80, s30;
	p2 =	sgt.s32 s25, $0x7F;
	s25 =	smov.u32 s11  }
0x17: {  	v63 =	vld [tilespmem:s18+$0xFFFFFFC0];
	[tilespmem:s19+$0x1020 ss:$0x81] =	vst.msk $0xffff, v58;
	s21 =	ssub.s32 $0x3E80, s29;
	s25 =	simm.s32 @!p1 $0x368;
	s26 =	smul.u32 $0x3E8, s31  }
0x18: {  	[tilespmem:s19+$0x1830 ss:$0x81] =	vst.msk $0xffff, v59;
	s21 =	simm.s32 @p2 $0x0;
	s27 =	ssub.s32 $0x3E8, s25  }
0x19: {  	[tilespmem:s19+$0x2040 ss:$0x81] =	vst.msk $0xffff, v60;
	s22 =	ssub.s32 s23, s22;
	s18 =	ssub.s32 s28, s26;
	s28 =	smul.u32 s27, s21  }
0x1a: {  	[tilespmem:s19+$0x2850 ss:$0x81] =	vst.msk $0xffff, v61;
	s29 =	sshrl.u32 s22, $0x3;
	s22 =	sand.u32 $0x7, s22;
	s18 =	smul.u32 $0x7D0, s18  }
0x1b: {  	[tilespmem:s19+$0x3060 ss:$0x81] =	vst.msk $0xffff, v62;
	s21 =	sadd.s32 s4, s29;
	s22 =	sshll.u32 s22, $0x12  }
0x1c: {  	[tilespmem:s19+$0x0 ss:$0x81] =	vst.msk $0xffff, v63;
	s30 =	sand.u32 $0x3FFFFFF8, s28;
	s31 =	sor.u32 $0x400, s22;
	s18 =	sadd.s32 s18, s21  }
0x1d: {  	[hbm4b:s18+s31] =	stream.strided.scatter [tilespmem:s17], [sflag:$0x2], s30, s10, s31, $0x20;
	[tilespmem:$0x10100] =	vst v63  }
.LBB1_5:
0x1e: {  	p1 =	slt.u32 s15, $0x2  }
0x1f: {  	p2 =	sgt.s32 @!p1 s16, $0x3E00  }
0x20: {  	s17 =	smov.u32 s16;
	s18 =	sshra.s32 @!p1 s16, $0x1F;
	p2 =	por !p2, p1  }
0x21: {  	s16 =	sand.u32 @!p1 s18, s16;
	s17 =	simm.s32 @p2 $0x3E00  }
0x22: {  	s16 =	ssub.s32 @!p1 s17, s16  }
0x23: {  	p2 =	sgt.s32 @!p1 s14, $0x368;
	s17 =	sadd.s32 @!p1 $0xFFFFC200, s16  }
0x24: {  	s18 =	sadd.s32 $0x200, s13;
	p2 =	por !p2, p1;
	p3 =	sgt.s32 @!p1 s17, $0x7F  }
0x25: {  	s14 =	simm.s32 @p2 $0x368;
	s16 =	ssub.s32 @!p1 $0x3E80, s16;
	p2 =	por !p3, p1  }
0x26: {  	s14 =	ssub.s32 @!p1 $0x3E8, s14;
	s16 =	simm.s32 @!p2 $0x0;
	p2 =	sgt.s32 s18, $0x3E7F  }
0x27: {  	s14 =	smul.u32 @!p1 s14, s16;
	s18 =	smov.u32 @p2 s3;
	p2 =	sne.s32 s15, s9  }
.Ltmp1:
0x28: {  	s20 =	sadd.s32 $0x1, s15;
	p0 =	por !p0, !p0;
	(pc) =	sbr.rel @!p2 .LBB1_6-.Ltmp1, $4  }
0x29: {  	s17 =	simm.s32 @!p1 $0x2;
	s16 =	smov.u32 s12;
	s14 =	sand.u32 @!p1 $0x3FFFFFFF, s14  }
0x2a: {  	s12 =	smov.u32 s13;
	s15 =	smov.u32 s20;
	_ =	swait.ge @!p1 [sflag:s17], s14  }
0x2b: {  	s13 =	smov.u32 s18;
	s19 =	ssub.s32 @!p1 $0x0, s14;
	[sflag:s17] =	ssyncset.done @!p1 $0x0  }
0x2c: {  	s14 =	smov.u32 s11;
	s11 =	smov.u32 s6;
	[sflag:s17] =	ssyncadd.s32 @!p1 s19  }
.LBB1_1:
0x2d: {  	p1 =	sge.u32 s15, s7  }
0x2e: {  	s17 =	sshll.u32 @!p1 s13, $0xA  }
0x2f: {  	s17 =	sand.u32 @!p1 $0xFFFFE000, s17  }
0x30: {  	s17 =	sor.u32 @!p1 s8, s17  }
0x31: {  	s17 =	sshrl.u32 @!p1 s17, $0xA  }
0x32: {  	s18 =	smulhi.u32 @!p1 $0x83127, s17;
	_ =	sdelay $0x1  }
0x33: {  	s18 =	sshrl.u32 @!p1 s18, $0x1  }
0x34: {  	s18 =	smul.u32 @!p1 $0x3E80, s18  }
0x35: {  	s31 =	sadd.s32 $0xFFFFFFFF, s15;
	s19 =	sxor.u32 @!p1 $0xFFFFFFFF, s15;
	s20 =	sshll.u32 @!p1 s13, $0x4  }
0x36: {  	s19 =	sshll.u32 @!p1 s19, $0xE;
	s17 =	ssub.s32 @!p1 s17, s18;
	s18 =	sand.u32 @!p1 $0x70, s20  }
0x37: {  	s19 =	sand.u32 @!p1 $0x4000, s19;
	s17 =	sshll.u32 @!p1 s17, $0x7;
	s18 =	sadd.s32 @!p1 s2, s18  }
0x38: {  	s20 =	simm.s32 @!p1 $0x2000;
	s17 =	sadd.s32 @!p1 s17, s18;
	s18 =	simm.s32 @!p1 $0x400  }
0x39: {  	[tilespmem:s19], [sflag:$0x1] =	stream.strided.gather @!p1 [hbm4b:s17+s18], $0x4000, s20, s18, $0x38;
	[tilespmem:$0x10100] =	vst v63  }
0x3a: {  	p1 =	sge.u32 s31, s7  }
.Ltmp2:
0x3b: {  	_ = 	snop;
	(pc) =	sbr.rel @p1 .LBB1_5-.Ltmp2, $1  }
0x3c: {  	_ =	sdelay $0x3  }
0x3d: {  	s17 =	simm.s32 $0x1  }
0x3e: {  	_ =	swait.ge [sflag:s5], $0x4000;
	s17 =	simm.s32 @!p0 $0x0  }
0x3f: {  	[sflag:s5] =	ssyncset.done $0x0;
	s18 =	sshll.u32 s17, $0xE  }
0x40: {  	[sflag:s5] =	ssyncadd.s32 $0xFFFFC000;
	s18 =	sor.u32 $0x40, s18  }
0x41: {  	s17 =	smul.u32 $0x10200, s17;
	v0 =	vld [tilespmem:s18+$0x30]  }
0x42: {  	v1 =	vld [tilespmem:s18+$0xFFFFFFD0]  }
0x43: {  	s17 =	sshrl.u32 s17, $0x2;
	v5 =	vld [tilespmem:s18+$0xFFFFFFE0]  }
0x44: {  	v6 =	vld [tilespmem:s18+$0xFFFFFFF0];
	s19 =	sor.u32 $0x8000, s17  }
0x45: {  	s31 =	sand.u32 $0x1, s15;
	v4 =	vld [tilespmem:s18+$0x0];
	s20 =	sadd.s32 $0x0, s19  }
0x46: {  	v3 =	vld [tilespmem:s18+$0x10];
	s17 =	smul.u32 $0x10200, s31;
	[tilespmem:s20+$0x3870 ss:$0x81] =	vst.msk $0xffff, v0  }
0x47: {  	v2 =	vld [tilespmem:s18+$0x20];
	[tilespmem:s20+$0x810 ss:$0x81] =	vst.msk $0xffff, v1  }
0x48: {  	s17 =	sshrl.u32 s17, $0x2;
	v0 =	vld [tilespmem:s18+$0xFFFFFFC0];
	[tilespmem:s20+$0x1020 ss:$0x81] =	vst.msk $0xffff, v5;
	s18 =	sadd.s32 $0x80, s18  }
0x49: {  	s21 =	simm.s32 $0x4;
	s22 =	simm.s32 $0x8;
	s17 =	sor.u32 $0x8000, s17;
	[tilespmem:s20+$0x1830 ss:$0x81] =	vst.msk $0xffff, v6;
	v1 =	vld [tilespmem:s18+$0x30]  }
.LBB1_3:
0x4a: {  	p1 =	sne.s32 s22, $0x1FC;
	v5 =	vld [tilespmem:s18+$0xFFFFFFD0];
	[tilespmem:s20+$0x2040 ss:$0x81] =	vst.msk $0xffff, v4  }
0x4b: {  	v6 =	vld [tilespmem:s18+$0xFFFFFFE0];
	[tilespmem:s20+$0x2850 ss:$0x81] =	vst.msk $0xffff, v3  }
0x4c: {  	s23 =	sshra.s32 s21, $0x2;
	s21 =	smov.u32 s22;
	v7 =	vld [tilespmem:s18+$0xFFFFFFF0];
	[tilespmem:s20+$0x3060 ss:$0x81] =	vst.msk $0xffff, v2  }
.Ltmp3:
0x4d: {  	v4 =	vld [tilespmem:s18+$0x0];
	[tilespmem:s20+$0x0 ss:$0x81] =	vst.msk $0xffff, v0;
	s20 =	sadd.s32 s23, s19;
	(pc) =	sbr.rel @p1 .LBB1_3-.Ltmp3, $4  }
0x4e: {  	v3 =	vld [tilespmem:s18+$0x10];
	[tilespmem:s20+$0x3870 ss:$0x81] =	vst.msk $0xffff, v1  }
0x4f: {  	[tilespmem:s20+$0x810 ss:$0x81] =	vst.msk $0xffff, v5;
	v2 =	vld [tilespmem:s18+$0x20]  }
0x50: {  	v0 =	vld [tilespmem:s18+$0xFFFFFFC0];
	[tilespmem:s20+$0x1020 ss:$0x81] =	vst.msk $0xffff, v6;
	s18 =	sadd.s32 $0x80, s18  }
0x51: {  	s22 =	sadd.s32 $0x4, s22;
	v1 =	vld [tilespmem:s18+$0x30];
	[tilespmem:s20+$0x1830 ss:$0x81] =	vst.msk $0xffff, v7  }
.Ltmp4:
0x52: {  	_ = 	snop;
	(pc) =	sbr.rel .LBB1_4-.Ltmp4, $1  }
0x53: {  	_ =	sdelay $0x3  }
.LBB1_6:
0x54: {  	_ =	sfence.sel $0x180000  }
0x55: {  	s2 =	simm.s32 $0x1;
	[bflag:$0x0] =	sbarrier.arrive $0xFFFF  }
0x56: {  	s31 =	simm.s32 $0x2;
	[sflag:s2] =	ssyncpa.u1 $0x1  }
0x57: {  	[sflag:s31] =	ssyncpa.u1 $0x1  }
0x58: {  	p0 =	sne.s32 s1, $0x0;
	_ =	strace $0x9000004A  }
0x59: {  	s0 =	sadd.s32 @!p0 $0x100000, s0;
	[bflag:$0x2] =	sbarrier.arrive $0xFFFF  }
0x5a: {  	[sflag:s0] =	ssyncadd.tile.s32 @!p0 $0x1;
	_ =	shalt  }
.Lfunc_end1:
_tile_overlayer_lowered:
.L_overlay_start_2:
0x5b: {  	(tag) =	ssettag $0x2  }
0x5c: {  	s0 =	rddreg [dreg:$0x0];
	s2 =	stileid.u32  }
0x5d: {  	s1 =	rddreg [dreg:$0x1];
	p0 =	sne.s32 s2, $0x0  }
0x5e: {  	s3 =	rddreg [dreg:$0x2];
	[bflag:$0x3] =	sbarrier.arrive $0xFFFF;
	s2 =	simm.s32 @!p0 $0x1C01  }
0x5f: {  	[timem:s3], [sflag:s2] =	dma.local @!p0 [hbm:s0], s1  }
0x60: {  	s0 =	simm.s32 @!p0 $0x1  }
0x61: {  	_ =	swait.ge @!p0 [sflag:s0], s1  }
0x62: {  	s1 =	ssub.s32 @!p0 $0x0, s1;
	[sflag:s0] =	ssyncset.done @!p0 $0x0  }
0x63: {  	[sflag:s0] =	ssyncadd.s32 @!p0 s1  }
0x64: {  	[bflag:$0x3] =	sbarrier.arrive $0xFFFF  }
0x65: {  	_ =	shalt  }

</sc_bundles>
